<compile_context>
chip_gen: v7x
topology: tpu7x:2x2x1
jax: 0.10.2.dev20260603
libtpu: 0.0.44.dev20260713+nightly
codegen_flags: <defaults>
</compile_context>

<pallas_src>
import jax
import jax.numpy as jnp
from jax import lax
from jax.experimental import pallas as pl
from jax.experimental.pallas import tpu as pltpu
from jax.experimental.pallas import tpu_sc as plsc

_NC = 2
_NS = 16
_NW = _NC * _NS
_D = 256


def _sc_copy(xf, n_rows, chunk_r):
    rows_per_w = n_rows // _NW
    nchunks = rows_per_w // chunk_r
    ce = chunk_r * _D

    def body(x_hbm, out_hbm, buf):
        c = lax.axis_index("c")
        s = lax.axis_index("s")
        wid = s * _NC + c
        elem0 = wid * rows_per_w * _D

        def chunk_body(g, carry):
            start = elem0 + g * ce
            pltpu.sync_copy(x_hbm.at[pl.ds(start, ce)], buf)
            pltpu.sync_copy(buf, out_hbm.at[pl.ds(start, ce)])
            return carry

        lax.fori_loop(0, nchunks, chunk_body, 0)

    return pl.kernel(
        body,
        out_type=jax.ShapeDtypeStruct((n_rows * _D,), jnp.float32),
        mesh=plsc.VectorSubcoreMesh(core_axis_name="c", subcore_axis_name="s"),
        scratch_types=[
            pltpu.VMEM((ce,), jnp.float32),
        ],
    )(xf)


def kernel(x, level_idx, level_emb):
    B, T, D = x.shape
    n_rows = B * T
    xf = x.reshape(n_rows * D)
    out = _sc_copy(xf, n_rows, chunk_r=256)
    return out.reshape(B, T, D)

# --- scband reference (transcript-rebuilt; emitter-appended) ---
"""Pipeline reference for scband-level-embedding-35253091566163 (READ-ONLY COPY).

The authoritative reference and input builder live on the scoring server;
editing this copy changes nothing except your own understanding.
"""

import jax, jax.numpy as jnp
import numpy as np


def setup_inputs(seed: int = 0) -> dict:
    key = jax.random.key(seed)
    k1, k2 = jax.random.split(key)
    x = jax.random.normal(k1, (8, 16384, 256), dtype=jnp.float32)
    level_emb = jax.random.normal(k2, (4, 256), dtype=jnp.float32) * 0.02
    level_idx = 2
    return {"x": x, "level_idx": level_idx, "level_emb": level_emb}


def reference(x, level_idx, level_emb):
    # emb = self.level_emb(level_idx)  -> single-row gather from embedding table
    emb = jnp.take(level_emb, level_idx, axis=0)  # [dim]
    # broadcast add over all tokens
    return x + emb

if __name__ == "__main__":
    import jax
    _d = setup_inputs()
    print(jax.jit(kernel)(*tuple(_d.values())))

</pallas_src>

<mosaic_0001>
#map = affine_map<(d0, d1) -> (0)>
module attributes {stable_mosaic.version = 14 : i64} {
  func.func @body(%arg0: i32, %arg1: i32, %arg2: memref<33554432xf32, #tpu.memory_space<hbm>>, %arg3: memref<33554432xf32, #tpu.memory_space<hbm>>, %arg4: memref<65536xf32, #tpu.memory_space<vmem>>) attributes {dimension_semantics = [#tpu.dimension_semantics<core_parallel>, #tpu.dimension_semantics<subcore_parallel>], iteration_bounds = array<i64: 2, 16>, scalar_prefetch = 0 : i64, scratch_operands = 1 : i64, tpu.core_type = #tpu.core_type<sc_vector_subcore>, window_params = [{transform_indices = #map}, {transform_indices = #map}]} {
    %mul3A = arith.constant 2 : i32
    %mul3A_0 = arith.muli %arg1, %mul3A : i32
    %add3A = arith.addi %mul3A_0, %arg0 : i32
    %mul3A_1 = arith.constant 4096 : i32
    %mul3A_2 = arith.muli %add3A, %mul3A_1 : i32
    %mul3A_3 = arith.constant 256 : i32
    %mul3A_4 = arith.muli %mul3A_2, %mul3A_3 : i32
    %scan3A = arith.constant 0 : i32
    %scan3A_5 = arith.constant 0 : i32
    %scan3A_6 = arith.constant 16 : i32
    %scan3A_7 = arith.addi %scan3A_5, %scan3A_6 : i32
    %scan3A_8 = arith.constant 1 : i32
    scf.for %scan3A_10 = %scan3A_5 to %scan3A_7 step %scan3A_8  : i32 {
      %mul3A_11 = arith.constant 65536 : i32
      %mul3A_12 = arith.muli %scan3A_10, %mul3A_11 : i32
      %add3A_13 = arith.addi %mul3A_4, %mul3A_12 : i32
      "tpu.region"() ({
        %run_scoped3A = tpu.sem_alloc : memref<!tpu.dma_semaphore, #tpu.memory_space<semaphore_mem>>
        %dma_start3A = tpu.memref_slice %arg2[%add3A_13] : memref<33554432xf32, #tpu.memory_space<hbm>> -> memref<65536xf32, #tpu.memory_space<hbm>>
        %dma_start3A_14 = tpu.memref_slice %arg2[%add3A_13] : memref<33554432xf32, #tpu.memory_space<hbm>> -> memref<65536xf32, #tpu.memory_space<hbm>>
        tpu.enqueue_dma source(%dma_start3A_14 : memref<65536xf32, #tpu.memory_space<hbm>>) target(%arg4 : memref<65536xf32, #tpu.memory_space<vmem>>) target_semaphore(%run_scoped3A : memref<!tpu.dma_semaphore, #tpu.memory_space<semaphore_mem>>)
        %dma_wait3A = tpu.memref_slice %arg2[%add3A_13] : memref<33554432xf32, #tpu.memory_space<hbm>> -> memref<65536xf32, #tpu.memory_space<hbm>>
        %dma_wait3A_15 = tpu.memref_slice %arg2[%add3A_13] : memref<33554432xf32, #tpu.memory_space<hbm>> -> memref<65536xf32, #tpu.memory_space<hbm>>
        tpu.wait_dma2 semaphore(%run_scoped3A : memref<!tpu.dma_semaphore, #tpu.memory_space<semaphore_mem>>) src(%dma_wait3A_15 : memref<65536xf32, #tpu.memory_space<hbm>>) dst(%arg4 : memref<65536xf32, #tpu.memory_space<vmem>>)
        tpu.yield
      }) : () -> ()
      "tpu.region"() ({
        %run_scoped3A = tpu.sem_alloc : memref<!tpu.dma_semaphore, #tpu.memory_space<semaphore_mem>>
        %dma_start3A = tpu.memref_slice %arg3[%add3A_13] : memref<33554432xf32, #tpu.memory_space<hbm>> -> memref<65536xf32, #tpu.memory_space<hbm>>
        %dma_start3A_14 = tpu.memref_slice %arg3[%add3A_13] : memref<33554432xf32, #tpu.memory_space<hbm>> -> memref<65536xf32, #tpu.memory_space<hbm>>
        tpu.enqueue_dma source(%arg4 : memref<65536xf32, #tpu.memory_space<vmem>>) target(%dma_start3A_14 : memref<65536xf32, #tpu.memory_space<hbm>>) target_semaphore(%run_scoped3A : memref<!tpu.dma_semaphore, #tpu.memory_space<semaphore_mem>>)
        %dma_wait3A = tpu.memref_slice %arg3[%add3A_13] : memref<33554432xf32, #tpu.memory_space<hbm>> -> memref<65536xf32, #tpu.memory_space<hbm>>
        %dma_wait3A_15 = tpu.memref_slice %arg3[%add3A_13] : memref<33554432xf32, #tpu.memory_space<hbm>> -> memref<65536xf32, #tpu.memory_space<hbm>>
        tpu.wait_dma2 semaphore(%run_scoped3A : memref<!tpu.dma_semaphore, #tpu.memory_space<semaphore_mem>>) src(%arg4 : memref<65536xf32, #tpu.memory_space<vmem>>) dst(%dma_wait3A_15 : memref<65536xf32, #tpu.memory_space<hbm>>)
        tpu.yield
      }) : () -> ()
    }
    %scan3A_9 = arith.constant 16 : i32
    return
  }
}

</mosaic_0001>

<sc_bundles>
// kernel: kernel.3.cloned.1.call-start
scs
__scs_entry_jumppad:
0x0: {  	(pc) =	sbr.rel $0x88, $3  }
0x1: {  	(tag) =	ssettag $0x0;
	lr =	simm.s32 $0x1  }
0x2: {  	[smem:$0x3FA0] =	sst lr;
	_ =	strace $0xD0000000  }
0x3: {  	_ = 	snop  }
0x4: {  	_ = 	snop  }
0x5: {  	_ = 	snop  }
0x6: {  	_ = 	snop  }
0x7: {  	_ = 	snop  }
__scs_overlays_trampoline_lowered:
0x8: {  	[smem:$0x3FAF] =	sst s0  }
0x9: {  	[smem:$0x3FB0] =	sst s1  }
0xa: {  	[smem:$0x3FB1] =	sst s2  }
0xb: {  	[smem:$0x3FB2] =	sst s3  }
0xc: {  	[smem:$0x3FB3] =	sst s4  }
0xd: {  	[smem:$0x3FB4] =	sst s5  }
0xe: {  	[smem:$0x3FB5] =	sst s6  }
0xf: {  	[smem:$0x3FB6] =	sst s7  }
0x10: {  	[smem:$0x3FB7] =	sst s8  }
0x11: {  	[smem:$0x3FB8] =	sst s9;
	s0 =	simm.s32 @!p0 $0x0  }
0x12: {  	s1 =	sld [smem:$0x3F9E];
	s0 =	simm.s32 @p0 $0x1  }
0x13: {  	[smem:$0x3FB9] =	sst s0;
	s0 =	simm.s32 @!p1 $0x0  }
0x14: {  	s2 =	sld [smem:$0x3F9D];
	s0 =	simm.s32 @p1 $0x1  }
0x15: {  	[smem:$0x3FBA] =	sst s0;
	s0 =	simm.s32 @!p2 $0x0  }
0x16: {  	s3 =	sld [smem:$0x3FDB];
	s0 =	simm.s32 @p2 $0x1  }
0x17: {  	s4 =	simm.s32 $0x1BF5;
	[smem:$0x3FBC] =	sst s0  }
0x18: {  	s0 =	sld [smem:$0x3F9F];
	_ =	swait.ge [sflag:s4], $0x0  }
0x19: {  	s7 =	sld [smem:$0x3FA0]  }
0x1a: {  	s8 =	sadd.s32 $0xFFFFE003, lr  }
0x1b: {  	s9 =	sadd.s32 $0xFFFFFEF7, lr;
	s5 =	simm.s32 $0xFFFFFFFF;
	p2 =	slt.u32 s8, $0xFFFFF086  }
0x1c: {  	p1 =	slt.u32 s9, $0xF7A;
	s5 =	simm.s32 @!p2 $0x0  }
0x1d: {  	s5 =	simm.s32 @p1 $0x1;
	p0 =	seq.s32 s7, s2  }
0x1e: {  	s7 =	smul.u32 @!p0 $0xF7A, s2;
	p2 =	seq.s32 @!p0 s5, $0x0  }
0x1f: {  	s9 =	smul.u32 $0xF7A, s1;
	s8 =	simm.s32 @!p0 $0x1BF5;
	p2 =	por !p2, p0  }
0x20: {  	[sflag:s8] =	ssyncset.s32 @!p0 $0xFFFFF086;
	s6 =	sadd.s32 @!p0 s3, s7;
	s7 =	simm.s32 @!p0 $0x108  }
0x21: {  	s3 =	sadd.s32 s3, s9;
	s6 =	sadd.s32 @!p0 $0x88, s6;
	s7 =	simm.s32 @p2 $0x1082  }
0x22: {  	[simem:s7], [sflag:s8] =	dma.local @!p0 [hbm:s6], $0xF7A  }
0x23: {  	s9 =	sor.u32 $0xD0000000, s2;
	s6 =	simm.s32 $0x108;
	_ =	swait.ge @!p0 [sflag:s8], $0x0  }
0x24: {  	s3 =	sadd.s32 $0x88, s3;
	s6 =	simm.s32 @!p1 $0x1082;
	[sflag:s4] =	ssyncset.s32 $0xFFFFF086  }
0x25: {  	[simem:s6], [sflag:s4] =	dma.local [hbm:s3], $0xF7A  }
0x26: {  	[smem:$0x3FA0] =	sst s1;
	(tag) =	ssettag s2;
	_ =	strace s9  }
0x27: {  	s1 =	sld [smem:$0x3FB0]  }
0x28: {  	s2 =	sld [smem:$0x3FB1]  }
0x29: {  	s4 =	sld [smem:$0x3FB3]  }
0x2a: {  	p0 =	seq.s32 s5, $0x0;
	s5 =	sld [smem:$0x3FB4]  }
0x2b: {  	s6 =	sld [smem:$0x3FB5]  }
0x2c: {  	s7 =	sld [smem:$0x3FB6]  }
0x2d: {  	s3 =	simm.s32 $0x108;
	s8 =	sld [smem:$0x3FB7]  }
0x2e: {  	s3 =	simm.s32 @!p0 $0x1082;
	s9 =	sld [smem:$0x3FB8]  }
0x2f: {  	lr =	sadd.s32 s0, s3;
	s0 =	sld [smem:$0x3FAF]  }
0x30: {  	s3 =	sld [smem:$0x3FB2]  }
0x31: {  	[smem:$0x3FBB] =	sst s10  }
0x32: {  	s10 =	sld [smem:$0x3FB9];
	_ =	sdelay $0x3  }
0x33: {  	p0 =	seq.s32 s10, $0x1;
	s10 =	sld [smem:$0x3FBB];
	_ =	sdelay $0x3  }
0x34: {  	[smem:$0x3FBB] =	sst s10  }
0x35: {  	s10 =	sld [smem:$0x3FBA];
	_ =	sdelay $0x3  }
0x36: {  	p1 =	seq.s32 s10, $0x1;
	s10 =	sld [smem:$0x3FBB];
	_ =	sdelay $0x3  }
0x37: {  	[smem:$0x3FBB] =	sst s10  }
0x38: {  	s10 =	sld [smem:$0x3FBC]  }
0x39: {  	_ = 	snop;
	(pc) =	sbr.ind lr, $3  }
0x3a: {  	_ = 	snop  }
0x3b: {  	_ = 	snop  }
0x3c: {  	p2 =	seq.s32 s10, $0x1;
	s10 =	sld [smem:$0x3FBB]  }
0x3d: {  	_ =	shalt  }
0x3e: {  	_ =	shalt  }
0x3f: {  	_ =	shalt  }
0x40: {  	_ =	shalt  }
0x41: {  	_ =	shalt  }
0x42: {  	_ =	shalt  }
0x43: {  	_ =	shalt  }
0x44: {  	_ =	shalt  }
0x45: {  	_ =	shalt  }
0x46: {  	_ =	shalt  }
0x47: {  	_ =	shalt  }
0x48: {  	_ =	shalt  }
0x49: {  	_ =	shalt  }
0x4a: {  	_ =	shalt  }
0x4b: {  	_ =	shalt  }
0x4c: {  	_ =	shalt  }
0x4d: {  	_ =	shalt  }
0x4e: {  	_ =	shalt  }
0x4f: {  	_ =	shalt  }
0x50: {  	_ =	shalt  }
0x51: {  	_ =	shalt  }
0x52: {  	_ =	shalt  }
0x53: {  	_ =	shalt  }
0x54: {  	_ =	shalt  }
0x55: {  	_ =	shalt  }
0x56: {  	_ =	shalt  }
0x57: {  	_ =	shalt  }
0x58: {  	_ =	shalt  }
0x59: {  	_ =	shalt  }
0x5a: {  	_ =	shalt  }
0x5b: {  	_ =	shalt  }
0x5c: {  	_ =	shalt  }
0x5d: {  	_ =	shalt  }
0x5e: {  	_ =	shalt  }
0x5f: {  	_ =	shalt  }
0x60: {  	_ =	shalt  }
0x61: {  	_ =	shalt  }
0x62: {  	_ =	shalt  }
0x63: {  	_ =	shalt  }
0x64: {  	_ =	shalt  }
0x65: {  	_ =	shalt  }
0x66: {  	_ =	shalt  }
0x67: {  	_ =	shalt  }
0x68: {  	_ =	shalt  }
0x69: {  	_ =	shalt  }
0x6a: {  	_ =	shalt  }
0x6b: {  	_ =	shalt  }
0x6c: {  	_ =	shalt  }
0x6d: {  	_ =	shalt  }
0x6e: {  	_ =	shalt  }
0x6f: {  	_ =	shalt  }
0x70: {  	_ =	shalt  }
0x71: {  	_ =	shalt  }
0x72: {  	_ =	shalt  }
0x73: {  	_ =	shalt  }
0x74: {  	_ =	shalt  }
0x75: {  	_ =	shalt  }
0x76: {  	_ =	shalt  }
0x77: {  	_ =	shalt  }
0x78: {  	_ =	shalt  }
0x79: {  	_ =	shalt  }
0x7a: {  	_ =	shalt  }
0x7b: {  	_ =	shalt  }
0x7c: {  	_ =	shalt  }
0x7d: {  	_ =	shalt  }
0x7e: {  	_ =	shalt  }
0x7f: {  	_ =	shalt  }
0x80: {  	_ =	shalt  }
0x81: {  	_ =	shalt  }
0x82: {  	_ =	shalt  }
0x83: {  	_ =	shalt  }
0x84: {  	_ =	shalt  }
0x85: {  	_ =	shalt  }
0x86: {  	_ =	shalt  }
0x87: {  	_ =	shalt  }
.Lfunc_end0:
.L_simem_size_0:
called_computation.1_lowered:
.L_overlay_start_0:
0x88: {  	s2 =	sld [smem:$0x3FD9]  }
0x89: {  	s3 =	sld [smem:$0x3FFE];
	_ =	sdelay $0x1  }
0x8a: {  	s1 =	srdreg.scid  }
0x8b: {  	s0 =	sand.u32 $0x1, s1  }
0x8c: {  	s17 =	sshll.u32 s0, $0xA;
	s2 =	sadd.s32 s3, s2  }
0x8d: {  	s2 =	sadd.s32 s2, s17  }
0x8e: {  	[smem:$0x3FC7] =	sst s2  }
0x8f: {  	_ = 	snop  }
0x90: {  	s2 =	sld [smem:$0x3FD0];
	(tm) =	ssettm $0x1  }
0x91: {  	s18 =	sld [smem:$0x3FFB];
	_ =	sdelay $0x3  }
0x92: {  	_ =	strace s18  }
0x93: {  	s3 =	sld [smem:$0x3FFC];
	_ =	sdelay $0x3  }
0x94: {  	_ =	strace s3  }
0x95: {  	s3 =	sld [smem:$0x3FFD];
	_ =	sdelay $0x3  }
0x96: {  	_ =	strace s3  }
0x97: {  	_ =	strace $0x8FFFFFFF  }
0x98: {  	s19 =	sld [smem:$0x3FDB];
	_ =	sdelay $0x1  }
0x99: {  	s4 =	simm.s32 $_scs_section_size  }
0x9a: {  	s5 =	simm.s32 $_size__tile_overlayer_lowered;
	s6 =	simm.s32 $_tile_overlayer_lowered  }
0x9b: {  	s22 =	simm.s32 $0x1BFF;
	s21 =	sshll.u32 s6, $0x1;
	s3 =	sadd.s32 s4, s19  }
0x9c: {  	s7 =	simm.s32 $0x0;
	s20 =	sshll.u32 s5, $0x1;
	s5 =	sadd.s32 s21, s3  }
0x9d: {  	[timem:s7], [sflag:s22] =	dma.local [hbm:s5], s20  }
0x9e: {  	_ =	swait.ge [sflag:s22], s20  }
0x9f: {  	s4 =	ssub.s32 $0x0, s20;
	[sflag:s22] =	ssyncset.done $0x0  }
0xa0: {  	[sflag:s22] =	ssyncadd.s32 s4;
	_ =	sdelay $0x1  }
0xa1: {  	s23 =	simm.s32 $0x1B8B  }
0xa2: {  	_ =	swait.ge [sflag:s23], $0x1  }
0xa3: {  	[sflag:s23] =	ssyncset.done $0x0  }
0xa4: {  	s25 =	simm.s32 $0x1B8E;
	s24 =	sld [smem:$0x3FFE];
	[sflag:s23] =	ssyncadd.s32 $0xFFFFFFFF  }
0xa5: {  	s26 =	simm.s32 $execute0_lowered;
	[smem:$0x3FD2] =	sst s25  }
0xa6: {  	s5 =	sshll.u32 s26, $0x1;
	_ =	strace $0x80000049;
	[dreg:$0x1] =	wrdreg $0xFFFFFFFF  }
0xa7: {  	s28 =	simm.s32 $_size_execute0_lowered;
	s3 =	sadd.s32 s3, s5;
	[dreg:$0x0] =	wrdreg $0x0  }
0xa8: {  	s5 =	sshll.u32 s28, $0x1;
	[dreg:$0x2] =	wrdreg s3  }
0xa9: {  	[dreg:$0x3] =	wrdreg s5  }
0xaa: {  	[dreg:$0x4] =	wrdreg $0xC0  }
0xab: {  	_ =	task [dreg:s7], $0x5FFFF  }
0xac: {  	[dreg:$0x1] =	wrdreg $0xFFFFFFFF  }
0xad: {  	[dreg:$0x0] =	wrdreg $0x60  }
0xae: {  	[dreg:$0x2] =	wrdreg s2  }
0xaf: {  	[dreg:$0x3] =	wrdreg s24  }
0xb0: {  	[dreg:$0x4] =	wrdreg $0x9  }
0xb1: {  	_ =	task.clear_ibuf [dreg:s7], $0x5FFFF;
	_ =	strace $0x90000049  }
0xb2: {  	s29 =	simm.s32 $0x9;
	_ =	strace $0x8000004B  }
0xb3: {  	_ =	swait.ge [sflag:s29], $0x1  }
0xb4: {  	[sflag:s29] =	ssyncadd.s32 $0xFFFFFFFF  }
0xb5: {  	_ =	strace $0x9000004B  }
0xb6: {  	_ =	sfence  }
0xb7: {  	s30 =	sld [smem:$0x0];
	_ =	sdelay $0x2  }
0xb8: {  	s31 =	sshll.u32 s1, $0xD;
	s1 =	sshrl.u32 s1, $0x2  }
0xb9: {  	s3 =	sand.u32 $0x4000, s31;
	s1 =	sadd.s32 s1, s30  }
0xba: {  	s0 =	sor.u32 s3, s0;
	s1 =	sshll.u32 s1, $0x11  }
0xbb: {  	s0 =	sor.u32 s1, s0  }
0xbc: {  	s0 =	sadd.s32 $0x8F2B, s0  }
0xbd: {  	[sflag:s0] =	ssyncadd.remote.s32 $0x1  }
0xbe: {  	_ =	sfence.sel $0xFFFF  }
0xbf: {  	[dreg:$0x0] =	wrdreg $0xFFFFFFFF;
	(pc) =	sbr.abs _section_cstart, $3  }
0xc0: {  	[dreg:$0x1] =	wrdreg $0xFFFFFFFF  }
0xc1: {  	_ =	task.clear_ibuf [dreg:s7], $0x2FFFF;
	_ =	strace $0x9FFFFFFF  }
0xc2: {  	(tm) =	ssettm $0x7FFFFFFF  }
0xc3: {  	_ =	shalt  }
tec
execute0_lowered:
.L_overlay_start_1:
0x0: {  	(tag) =	ssettag $0x1  }
0x1: {  	s5 =	rddreg [dreg:$0x0]  }
0x2: {  	s3 =	rddreg [dreg:$0x1]  }
0x3: {  	s0 =	rddreg [dreg:$0x2];
	s4 =	srdreg.scid  }
0x4: {  	s2 =	simm.s32 $0x0;
	s1 =	stileid.u32;
	s4 =	sand.u32 $0x1, s4  }
0x5: {  	[smem:$0x7FF] =	sst s2;
	s6 =	sshll.u32 s1, $0x12;
	s7 =	ssub.s32 $0x2, s4  }
0x6: {  	s3 =	sadd.s32 s6, s3;
	s9 =	sshll.u32 s4, $0x11;
	_ =	strace $0x8000004A  }
0x7: {  	s5 =	sadd.s32 s6, s5;
	s6 =	simm.s32 $0x1;
	s8 =	sshrl.u32 s7, $0x1  }
0x8: {  	s31 =	sadd.s32 s9, s3;
	s5 =	sadd.s32 s9, s5;
	s30 =	ssub.s32 s7, s8  }
0x9: {  	s4 =	sadd.s32 $0x800, s31;
	s7 =	simm.s32 $0x0;
	s3 =	smax.u32 s30, $0x1  }
.LBB2_1:
0xa: {  	s8 =	sadd.s32 $0x0, s5  }
0xb: {  	[tilespmem:s2], [sflag:$0x1] =	stream.linear.gather [hbm4b:s8+s2], $0x10000, $0x38;
	[tilespmem:$0x10000] =	vst v63  }
0xc: {  	_ =	swait.ge [sflag:s6], $0x10000  }
0xd: {  	[sflag:s6] =	ssyncset.done $0x0  }
0xe: {  	s31 =	sadd.s32 $0x0, s4;
	[sflag:s6] =	ssyncadd.s32 $0xFFFF0000  }
0xf: {  	[hbm4b:s31+s2] =	stream.linear.scatter [tilespmem:s2], [sflag:$0x1], $0x10000, $0x38;
	[tilespmem:$0x10000] =	vst v63  }
0x10: {  	_ =	swait.ge [sflag:s6], $0x10000  }
0x11: {  	s9 =	simm.s32 $0x4000;
	s8 =	simm.s32 $0x2000;
	[sflag:s6] =	ssyncset.done $0x0  }
.LBB2_2:
0x12: {  	s10 =	sadd.s32 s8, s5  }
0x13: {  	[sflag:s6] =	ssyncadd.s32 $0xFFFF0000;
	s11 =	smov.u32 s9;
	s12 =	sadd.s32 $0x2000, s9  }
0x14: {  	[tilespmem:s2], [sflag:$0x1] =	stream.linear.gather [hbm4b:s10+s2], $0x10000, $0x38;
	[tilespmem:$0x10000] =	vst v63  }
0x15: {  	p0 =	sne.s32 s9, $0x1E000;
	_ =	swait.ge [sflag:s6], $0x10000  }
.Ltmp0:
0x16: {  	[sflag:s6] =	ssyncset.done $0x0;
	(pc) =	sbr.rel @p0 .LBB2_2-.Ltmp0, $4  }
0x17: {  	s9 =	sadd.s32 s8, s4;
	s8 =	smov.u32 s11;
	[sflag:s6] =	ssyncadd.s32 $0xFFFF0000  }
0x18: {  	[hbm4b:s9+s2] =	stream.linear.scatter [tilespmem:s2], [sflag:$0x1], $0x10000, $0x38;
	[tilespmem:$0x10000] =	vst v63  }
0x19: {  	_ =	swait.ge [sflag:s6], $0x10000  }
0x1a: {  	s9 =	smov.u32 s12;
	[sflag:s6] =	ssyncset.done $0x0  }
0x1b: {  	s9 =	sadd.s32 s8, s5;
	[sflag:s6] =	ssyncadd.s32 $0xFFFF0000  }
0x1c: {  	[tilespmem:s2], [sflag:$0x1] =	stream.linear.gather [hbm4b:s9+s2], $0x10000, $0x38;
	[tilespmem:$0x10000] =	vst v63  }
0x1d: {  	s7 =	sadd.s32 $0x1, s7;
	_ =	swait.ge [sflag:s6], $0x10000  }
0x1e: {  	p0 =	sne.s32 s7, s3;
	[sflag:s6] =	ssyncset.done $0x0  }
.Ltmp1:
0x1f: {  	s31 =	sadd.s32 s8, s4;
	[sflag:s6] =	ssyncadd.s32 $0xFFFF0000;
	(pc) =	sbr.rel @p0 .LBB2_1-.Ltmp1, $4  }
0x20: {  	[hbm4b:s31+s2] =	stream.linear.scatter [tilespmem:s2], [sflag:$0x1], $0x10000, $0x38;
	[tilespmem:$0x10000] =	vst v63  }
0x21: {  	_ =	swait.ge [sflag:s6], $0x10000  }
0x22: {  	[sflag:s6] =	ssyncset.done $0x0  }
0x23: {  	[sflag:s6] =	ssyncadd.s32 $0xFFFF0000  }
0x24: {  	_ =	sfence.sel $0x180000  }
0x25: {  	[bflag:$0x0] =	sbarrier.arrive $0xFFFF  }
0x26: {  	p0 =	sne.s32 s1, $0x0;
	_ =	strace $0x9000004A  }
0x27: {  	s0 =	sadd.s32 @!p0 $0x100000, s0;
	[bflag:$0x2] =	sbarrier.arrive $0xFFFF  }
0x28: {  	[sflag:s0] =	ssyncadd.tile.s32 @!p0 $0x1;
	_ =	shalt  }
.Lfunc_end2:
_tile_overlayer_lowered:
.L_overlay_start_2:
0x29: {  	(tag) =	ssettag $0x2  }
0x2a: {  	s0 =	rddreg [dreg:$0x0];
	s2 =	stileid.u32  }
0x2b: {  	s1 =	rddreg [dreg:$0x1];
	p0 =	sne.s32 s2, $0x0  }
0x2c: {  	s3 =	rddreg [dreg:$0x2];
	[bflag:$0x3] =	sbarrier.arrive $0xFFFF;
	s2 =	simm.s32 @!p0 $0x1C01  }
0x2d: {  	[timem:s3], [sflag:s2] =	dma.local @!p0 [hbm:s0], s1  }
0x2e: {  	s0 =	simm.s32 @!p0 $0x1  }
0x2f: {  	_ =	swait.ge @!p0 [sflag:s0], s1  }
0x30: {  	s1 =	ssub.s32 @!p0 $0x0, s1;
	[sflag:s0] =	ssyncset.done @!p0 $0x0  }
0x31: {  	[sflag:s0] =	ssyncadd.s32 @!p0 s1  }
0x32: {  	[bflag:$0x3] =	sbarrier.arrive $0xFFFF  }
0x33: {  	_ =	shalt  }

// kernel: sparse-core-data-format-call.cloned.1.call-start
scs
called_computation_lowered:
.L_overlay_start_0:
0x0: {  	s2 =	sld [smem:$0x3FD9]  }
0x1: {  	s3 =	sld [smem:$0x3FFE];
	_ =	sdelay $0x1  }
0x2: {  	s1 =	srdreg.scid  }
0x3: {  	s0 =	sand.u32 $0x1, s1  }
0x4: {  	s19 =	sshll.u32 s0, $0xA;
	s2 =	sadd.s32 s3, s2  }
0x5: {  	s2 =	sadd.s32 s2, s19  }
0x6: {  	[smem:$0x3FC7] =	sst s2  }
0x7: {  	_ = 	snop  }
0x8: {  	s2 =	sld [smem:$0x3FC9]  }
0x9: {  	s20 =	sld [smem:$0x3FD0];
	(tm) =	ssettm $0x1  }
0xa: {  	s4 =	sld [smem:$0x3FFB];
	_ =	sdelay $0x3  }
0xb: {  	_ =	strace s4  }
0xc: {  	s4 =	sld [smem:$0x3FFC];
	_ =	sdelay $0x3  }
0xd: {  	_ =	strace s4  }
0xe: {  	s4 =	sld [smem:$0x3FFD];
	_ =	sdelay $0x3  }
0xf: {  	_ =	strace s4  }
0x10: {  	_ =	strace $0x8FFFFFFF  }
0x11: {  	s21 =	sld [smem:$0x3FDB];
	_ =	sdelay $0x1  }
0x12: {  	s5 =	simm.s32 $_scs_section_size  }
0x13: {  	s6 =	simm.s32 $_size__tile_overlayer_lowered;
	s7 =	simm.s32 $_tile_overlayer_lowered  }
0x14: {  	s24 =	simm.s32 $0x1BFF;
	s23 =	sshll.u32 s7, $0x1;
	s4 =	sadd.s32 s5, s21  }
0x15: {  	s8 =	simm.s32 $0x0;
	s22 =	sshll.u32 s6, $0x1;
	s6 =	sadd.s32 s23, s4  }
0x16: {  	[timem:s8], [sflag:s24] =	dma.local [hbm:s6], s22  }
0x17: {  	_ =	swait.ge [sflag:s24], s22  }
0x18: {  	s5 =	ssub.s32 $0x0, s22;
	[sflag:s24] =	ssyncset.done $0x0  }
0x19: {  	[sflag:s24] =	ssyncadd.s32 s5;
	_ =	sdelay $0x1  }
0x1a: {  	s25 =	simm.s32 $0x1B8B  }
0x1b: {  	_ =	swait.ge [sflag:s25], $0x1  }
0x1c: {  	[sflag:s25] =	ssyncset.done $0x0  }
0x1d: {  	s26 =	simm.s32 $0x1B8E;
	[sflag:s25] =	ssyncadd.s32 $0xFFFFFFFF  }
0x1e: {  	s27 =	simm.s32 $execute0_lowered;
	[smem:$0x3FD2] =	sst s26  }
0x1f: {  	s5 =	sshll.u32 s27, $0x1;
	_ =	strace $0x80000046;
	[dreg:$0x1] =	wrdreg $0xFFFFFFFF  }
0x20: {  	s28 =	simm.s32 $_size_execute0_lowered;
	s4 =	sadd.s32 s4, s5;
	[dreg:$0x0] =	wrdreg $0x0  }
0x21: {  	s5 =	sshll.u32 s28, $0x1;
	[dreg:$0x2] =	wrdreg s4  }
0x22: {  	[dreg:$0x3] =	wrdreg s5  }
0x23: {  	[dreg:$0x4] =	wrdreg $0xC0  }
0x24: {  	_ =	task [dreg:s8], $0x5FFFF  }
0x25: {  	[dreg:$0x1] =	wrdreg $0xFFFFFFFF  }
0x26: {  	[dreg:$0x0] =	wrdreg $0x60  }
0x27: {  	[dreg:$0x2] =	wrdreg s2  }
0x28: {  	[dreg:$0x3] =	wrdreg s20  }
0x29: {  	[dreg:$0x4] =	wrdreg $0x9  }
0x2a: {  	_ =	task.clear_ibuf [dreg:s8], $0x5FFFF;
	_ =	strace $0x90000046  }
0x2b: {  	s29 =	simm.s32 $0x9;
	_ =	strace $0x80000048  }
0x2c: {  	_ =	swait.ge [sflag:s29], $0x1  }
0x2d: {  	[sflag:s29] =	ssyncadd.s32 $0xFFFFFFFF  }
0x2e: {  	_ =	strace $0x90000048  }
0x2f: {  	_ =	sfence  }
0x30: {  	s30 =	sld [smem:$0x0];
	_ =	sdelay $0x2  }
0x31: {  	s31 =	sshll.u32 s1, $0xD;
	s1 =	sshrl.u32 s1, $0x2  }
0x32: {  	s3 =	sand.u32 $0x4000, s31;
	s1 =	sadd.s32 s1, s30  }
0x33: {  	s0 =	sor.u32 s3, s0;
	s1 =	sshll.u32 s1, $0x11  }
0x34: {  	s0 =	sor.u32 s1, s0  }
0x35: {  	s0 =	sadd.s32 $0x8F2B, s0  }
0x36: {  	[sflag:s0] =	ssyncadd.remote.s32 $0x1  }
0x37: {  	_ =	sfence.sel $0xFFFF  }
0x38: {  	[dreg:$0x0] =	wrdreg $0xFFFFFFFF;
	(pc) =	sbr.abs _section_cstart, $3  }
0x39: {  	[dreg:$0x1] =	wrdreg $0xFFFFFFFF  }
0x3a: {  	_ =	task.clear_ibuf [dreg:s8], $0x2FFFF;
	_ =	strace $0x9FFFFFFF  }
0x3b: {  	(tm) =	ssettm $0x7FFFFFFF  }
tec
execute0_lowered:
.L_overlay_start_1:
0x0: {  	(tag) =	ssettag $0x1  }
0x1: {  	s0 =	srdreg.scid  }
0x2: {  	s1 =	sshll.u32 s0, $0x4  }
0x3: {  	s2 =	rddreg [dreg:$0x0];
	s0 =	stileid.u32;
	s1 =	sand.u32 $0x10, s1  }
0x4: {  	s4 =	rddreg [dreg:$0x1];
	s1 =	sor.u32 s0, s1  }
0x5: {  	s7 =	simm.s32 $0x1;
	s8 =	simm.s32 $0x2;
	s3 =	sshll.u32 s1, $0x3  }
0x6: {  	s9 =	simm.s32 $0x0;
	s12 =	simm.s32 $0x0;
	s6 =	ssub.s32 $0x4000, s3  }
.Ltmp0:
0x7: {  	s11 =	simm.s32 $0x0;
	s5 =	sand.u32 $0xF8, s6;
	(pc) =	sbr.rel .LBB1_1-.Ltmp0, $4  }
0x8: {  	s1 =	rddreg [dreg:$0x2];
	_ =	strace $0x80000047;
	p0 =	sne.s32 s5, $0x0  }
0x9: {  	s6 =	sshrl.u32 s6, $0x8;
	s5 =	simm.s32 $0x1;
	s7 =	simm.s32 @!p0 $0x0  }
0xa: {  	s10 =	smov.u32 s3;
	[sflag:s5] =	ssyncpa.u1 $0x0;
	s6 =	sadd.s32 s7, s6  }
0xb: {  	[sflag:s8] =	ssyncpa.u1 $0x0;
	s8 =	simm.s32 $0x0;
	s7 =	sadd.s32 $0x1, s6  }
.LBB1_9:
0xc: {  	s14 =	sadd.s32 $0x100, s10  }
0xd: {  	p1 =	sgt.s32 s14, $0x3FFF  }
0xe: {  	s14 =	smov.u32 @p1 s3;
	p1 =	sne.s32 s11, s7  }
.Ltmp1:
0xf: {  	p0 =	slt.u32 s11, $0x2;
	(pc) =	sbr.rel @!p1 .LBB1_10-.Ltmp1, $4  }
0x10: {  	s13 =	simm.s32 @!p0 $0x2  }
0x11: {  	s15 =	sadd.s32 $0x1, s11;
	_ =	swait.ge @!p0 [sflag:s13], $0x4000  }
0x12: {  	s12 =	smov.u32 s10;
	s9 =	sadd.s32 $0x4000, s9;
	[sflag:s13] =	ssyncset.done @!p0 $0x0  }
0x13: {  	s11 =	smov.u32 s15;
	s10 =	smov.u32 s14;
	[sflag:s13] =	ssyncadd.s32 @!p0 $0xFFFFC000  }
.LBB1_1:
0x14: {  	p0 =	sge.u32 s11, s6  }
0x15: {  	s13 =	sxor.u32 @!p0 $0xFFFFFFFF, s11  }
0x16: {  	s31 =	sadd.s32 $0xFFFFFFFF, s11;
	s14 =	sshll.u32 @!p0 s10, $0x8;
	s13 =	sshll.u32 @!p0 s13, $0xE  }
0x17: {  	s15 =	simm.s32 @!p0 $0x0;
	s14 =	sadd.s32 @!p0 s2, s14;
	s13 =	sand.u32 @!p0 $0x4000, s13  }
0x18: {  	[tilespmem:s13], [sflag:$0x1] =	stream.linear.gather @!p0 [hbm4b:s14+s15], $0x4000, $0x38;
	[tilespmem:$0x10000] =	vst v63  }
0x19: {  	p0 =	sge.u32 s31, s6  }
.Ltmp2:
0x1a: {  	_ = 	snop;
	(pc) =	sbr.rel @p0 .LBB1_9-.Ltmp2, $1  }
0x1b: {  	_ =	sdelay $0x3  }
0x1c: {  	s13 =	sshll.u32 s9, $0x2;
	_ =	swait.ge [sflag:s5], $0x4000;
	s14 =	sshll.u32 s11, $0xE  }
0x1d: {  	s16 =	simm.s32 $0x0;
	s17 =	simm.s32 $0x0;
	s15 =	sand.u32 $0x10000, s13  }
0x1e: {  	[sflag:s5] =	ssyncset.done $0x0;
	s31 =	sand.u32 $0x4000, s14;
	s14 =	sshrl.u32 s15, $0x2  }
0x1f: {  	[sflag:s5] =	ssyncadd.s32 $0xFFFFC000;
	s13 =	sor.u32 $0x8000, s31;
	s15 =	sor.u32 $0x8000, s14  }
.LBB1_3:
0x20: {  	s18 =	sshra.s32 s16, $0x2  }
0x21: {  	v0 =	vmov s18;
	_ =	sdelay $0x3  }
0x22: {  	p1 =	por $0x1, $0x1;
	s18 =	simm.s32 $0x0  }
.LBB1_4:
0x23: {  	_ = 	snop  }
0x24: {  	s19 =	sshll.u32 s18, $0xA  }
0x25: {  	s19 =	sand.u32 $0x3FFFFC00, s19  }
0x26: {  	s19 =	sadd.s32 s19, s14  }
0x27: {  	v5 =	vld.idx.msk [tilespmem:v0+s19+$0x70 ss:$0x1], $0xffff  }
0x28: {  	v6 =	vld.idx.msk [tilespmem:v0+s19+$0x10 ss:$0x1], $0xffff  }
0x29: {  	v7 =	vld.idx.msk [tilespmem:v0+s19+$0x20 ss:$0x1], $0xffff  }
0x2a: {  	s31 =	sshll.u32 s18, $0x7;
	v1 =	vld.idx.msk [tilespmem:v0+s19+$0x30 ss:$0x1], $0xffff  }
0x2b: {  	s18 =	sand.u32 $0x3FFFFF80, s31;
	v2 =	vld.idx.msk [tilespmem:v0+s19+$0x40 ss:$0x1], $0xffff  }
0x2c: {  	s18 =	sadd.s32 s18, s15;
	v3 =	vld.idx.msk [tilespmem:v0+s19+$0x50 ss:$0x1], $0xffff  }
0x2d: {  	v4 =	vld.idx.msk [tilespmem:v0+s19+$0x60 ss:$0x1], $0xffff;
	[tilespmem:v0+s18+$0x70 ss:$0x1] =	vst.idx.msk $0xffff, v5  }
0x2e: {  	v5 =	vld.idx.msk [tilespmem:v0+s19+$0x0 ss:$0x1], $0xffff;
	[tilespmem:v0+s18+$0x10 ss:$0x1] =	vst.idx.msk $0xffff, v6;
	s19 =	sadd.s32 $0x80, s19  }
0x2f: {  	p0 =	por p1, p1;
	s20 =	simm.s32 $0x6;
	[tilespmem:v0+s18+$0x20 ss:$0x1] =	vst.idx.msk $0xffff, v7;
	v6 =	vld.idx.msk [tilespmem:v0+s19+$0x70 ss:$0x1], $0xffff  }
.LBB1_5:
0x30: {  	p1 =	sne.s32 s20, $0x1;
	v7 =	vld.idx.msk [tilespmem:v0+s19+$0x10 ss:$0x1], $0xffff;
	[tilespmem:v0+s18+$0x30 ss:$0x1] =	vst.idx.msk $0xffff, v1  }
0x31: {  	v8 =	vld.idx.msk [tilespmem:v0+s19+$0x20 ss:$0x1], $0xffff;
	[tilespmem:v0+s18+$0x40 ss:$0x1] =	vst.idx.msk $0xffff, v2  }
0x32: {  	v1 =	vld.idx.msk [tilespmem:v0+s19+$0x30 ss:$0x1], $0xffff;
	[tilespmem:v0+s18+$0x50 ss:$0x1] =	vst.idx.msk $0xffff, v3  }
.Ltmp3:
0x33: {  	v2 =	vld.idx.msk [tilespmem:v0+s19+$0x40 ss:$0x1], $0xffff;
	[tilespmem:v0+s18+$0x60 ss:$0x1] =	vst.idx.msk $0xffff, v4;
	(pc) =	sbr.rel @p1 .LBB1_5-.Ltmp3, $4  }
0x34: {  	v3 =	vld.idx.msk [tilespmem:v0+s19+$0x50 ss:$0x1], $0xffff;
	[tilespmem:v0+s18+$0x0 ss:$0x1] =	vst.idx.msk $0xffff, v5;
	s18 =	sadd.s32 $0x100, s18  }
0x35: {  	v4 =	vld.idx.msk [tilespmem:v0+s19+$0x60 ss:$0x1], $0xffff;
	[tilespmem:v0+s18+$0x70 ss:$0x1] =	vst.idx.msk $0xffff, v6  }
0x36: {  	v5 =	vld.idx.msk [tilespmem:v0+s19+$0x0 ss:$0x1], $0xffff;
	[tilespmem:v0+s18+$0x10 ss:$0x1] =	vst.idx.msk $0xffff, v7;
	s19 =	sadd.s32 $0x80, s19  }
0x37: {  	s20 =	sadd.s32 $0xFFFFFFFF, s20;
	v6 =	vld.idx.msk [tilespmem:v0+s19+$0x70 ss:$0x1], $0xffff;
	[tilespmem:v0+s18+$0x20 ss:$0x1] =	vst.idx.msk $0xffff, v8  }
0x38: {  	_ =	sdelay $0x3  }
0x39: {  	[tilespmem:v0+s18+$0x30 ss:$0x1] =	vst.idx.msk $0xffff, v1  }
0x3a: {  	v1 =	vld.idx.msk [tilespmem:v0+s19+$0x10 ss:$0x1], $0xffff;
	[tilespmem:v0+s18+$0x40 ss:$0x1] =	vst.idx.msk $0xffff, v2  }
0x3b: {  	v2 =	vld.idx.msk [tilespmem:v0+s19+$0x20 ss:$0x1], $0xffff;
	[tilespmem:v0+s18+$0x50 ss:$0x1] =	vst.idx.msk $0xffff, v3  }
0x3c: {  	v61 =	vld.idx.msk [tilespmem:v0+s19+$0x40 ss:$0x1], $0xffff;
	[tilespmem:v0+s18+$0x60 ss:$0x1] =	vst.idx.msk $0xffff, v4  }
0x3d: {  	s31 =	sadd.s32 $0x100, s18;
	v62 =	vld.idx.msk [tilespmem:v0+s19+$0x50 ss:$0x1], $0xffff;
	[tilespmem:v0+s18+$0x0 ss:$0x1] =	vst.idx.msk $0xffff, v5  }
0x3e: {  	v63 =	vld.idx.msk [tilespmem:v0+s19+$0x60 ss:$0x1], $0xffff;
	[tilespmem:v0+s31+$0x70 ss:$0x1] =	vst.idx.msk $0xffff, v6  }
0x3f: {  	v3 =	vld.idx.msk [tilespmem:v0+s19+$0x30 ss:$0x1], $0xffff;
	[tilespmem:v0+s31+$0x10 ss:$0x1] =	vst.idx.msk $0xffff, v1  }
0x40: {  	v1 =	vld.idx.msk [tilespmem:v0+s19+$0x0 ss:$0x1], $0xffff;
	[tilespmem:v0+s31+$0x20 ss:$0x1] =	vst.idx.msk $0xffff, v2  }
.Ltmp4:
0x41: {  	[tilespmem:v0+s31+$0x40 ss:$0x1] =	vst.idx.msk $0xffff, v61;
	(pc) =	sbr.rel @p0 .LBB1_4-.Ltmp4, $4  }
0x42: {  	[tilespmem:v0+s31+$0x50 ss:$0x1] =	vst.idx.msk $0xffff, v62  }
0x43: {  	[tilespmem:v0+s31+$0x60 ss:$0x1] =	vst.idx.msk $0xffff, v63  }
0x44: {  	[tilespmem:v0+s31+$0x30 ss:$0x1] =	vst.idx.msk $0xffff, v3  }
0x45: {  	p1 =	por $0x0, $0x0;
	s18 =	simm.s32 $0x1;
	[tilespmem:v0+s31+$0x0 ss:$0x1] =	vst.idx.msk $0xffff, v1  }
0x46: {  	s17 =	sadd.s32 $0x1, s17  }
0x47: {  	p0 =	sne.s32 s17, $0x8  }
.Ltmp5:
0x48: {  	_ = 	snop;
	(pc) =	sbr.rel @p0 .LBB1_3-.Ltmp5, $2  }
0x49: {  	_ =	sdelay $0x2  }
0x4a: {  	s16 =	sadd.s32 $0x2000, s16  }
.Ltmp6:
0x4b: {  	(pc) =	sbr.rel .LBB1_9-.Ltmp6, $4  }
0x4c: {  	_ = 	snop  }
0x4d: {  	s12 =	sshll.u32 s12, $0x8  }
0x4e: {  	s12 =	sadd.s32 s4, s12  }
0x4f: {  	[hbm4b:s12+s8] =	stream.linear.scatter [tilespmem:s13], [sflag:$0x2], $0x4000, $0x38;
	[tilespmem:$0x10000] =	vst v63  }
.LBB1_10:
0x50: {  	_ =	sfence.sel $0x180000  }
0x51: {  	s2 =	simm.s32 $0x1;
	[bflag:$0x0] =	sbarrier.arrive $0xFFFF  }
0x52: {  	s31 =	simm.s32 $0x2;
	[sflag:s2] =	ssyncpa.u1 $0x1  }
0x53: {  	[sflag:s31] =	ssyncpa.u1 $0x1  }
0x54: {  	p0 =	sne.s32 s0, $0x0;
	_ =	strace $0x90000047  }
0x55: {  	s0 =	sadd.s32 @!p0 $0x100000, s1;
	[bflag:$0x2] =	sbarrier.arrive $0xFFFF  }
0x56: {  	[sflag:s0] =	ssyncadd.tile.s32 @!p0 $0x1;
	_ =	shalt  }
.Lfunc_end1:
_tile_overlayer_lowered:
.L_overlay_start_2:
0x57: {  	(tag) =	ssettag $0x2  }
0x58: {  	s0 =	rddreg [dreg:$0x0];
	s2 =	stileid.u32  }
0x59: {  	s1 =	rddreg [dreg:$0x1];
	p0 =	sne.s32 s2, $0x0  }
0x5a: {  	s3 =	rddreg [dreg:$0x2];
	[bflag:$0x3] =	sbarrier.arrive $0xFFFF;
	s2 =	simm.s32 @!p0 $0x1C01  }
0x5b: {  	[timem:s3], [sflag:s2] =	dma.local @!p0 [hbm:s0], s1  }
0x5c: {  	s0 =	simm.s32 @!p0 $0x1  }
0x5d: {  	_ =	swait.ge @!p0 [sflag:s0], s1  }
0x5e: {  	s1 =	ssub.s32 @!p0 $0x0, s1;
	[sflag:s0] =	ssyncset.done @!p0 $0x0  }
0x5f: {  	[sflag:s0] =	ssyncadd.s32 @!p0 s1  }
0x60: {  	[bflag:$0x3] =	sbarrier.arrive $0xFFFF  }
0x61: {  	_ =	shalt  }

</sc_bundles>
